<compile_context>
chip_gen: v7x
topology: tpu7x:2x2x1
jax: 0.10.2.dev20260603
libtpu: 0.0.44.dev20260713+nightly
codegen_flags: <defaults>
</compile_context>

<pallas_src>
import jax
import jax.numpy as jnp
from jax.experimental import pallas as pl
from jax.experimental.pallas import tpu as pltpu

_LANES = 128
_ROWS = 50000
_BLOCK_ROWS = 5000


def _sigmoid_block(k_ref, b_ref, o_ref):
    o_ref[...] = jax.nn.sigmoid(b_ref[0])


def kernel(B, k, edge_index, n):
    K, E = B.shape
    b3 = B.reshape(K, _ROWS, _LANES)
    k_arr = jnp.atleast_1d(k).astype(jnp.int32)
    grid = _ROWS // _BLOCK_ROWS
    out = pl.pallas_call(
        _sigmoid_block,
        grid_spec=pltpu.PrefetchScalarGridSpec(
            num_scalar_prefetch=1,
            grid=(grid,),
            in_specs=[
                pl.BlockSpec((1, _BLOCK_ROWS, _LANES),
                             lambda i, kref: (kref[0], i, 0)),
            ],
            out_specs=pl.BlockSpec((_BLOCK_ROWS, _LANES),
                                   lambda i, kref: (i, 0)),
        ),
        out_shape=jax.ShapeDtypeStruct((_ROWS, _LANES), jnp.float32),
    )(k_arr, b3)
    return out.reshape(E)

# --- scband reference (transcript-rebuilt; emitter-appended) ---
"""Pipeline reference for scband-graph-editer-34102040330403 (READ-ONLY COPY).

The authoritative reference and input builder live on the scoring server;
editing this copy changes nothing except your own understanding.
"""

import jax, jax.numpy as jnp
import numpy as np

K = 4
EDGE_NUM = 6400000
NODE_NUM = 100000

def setup_inputs(seed: int = 0) -> dict:
    key = jax.random.key(seed)
    kB, kE = jax.random.split(key)
    # Learned parameter B, initialized like nn.init.uniform_ per reset_parameters
    B = jax.random.uniform(kB, (K, EDGE_NUM), dtype=jnp.float32)
    edge_index = jax.random.randint(kE, (2, EDGE_NUM), 0, NODE_NUM, dtype=jnp.int32)
    k = 2
    n = NODE_NUM
    return {"B": B, "k": k, "edge_index": edge_index, "n": n}

def reference(B, k, edge_index, n):
    # Faithful translation of Graph_Editer.forward:
    #   Bk = self.B[k]; mask = torch.sigmoid(Bk); return mask
    # edge_index and n are accepted but unused by the original forward.
    Bk = jnp.take(B, k, axis=0)
    mask = jax.nn.sigmoid(Bk)
    return mask

if __name__ == "__main__":
    import jax
    _d = setup_inputs()
    print(jax.jit(kernel)(*tuple(_d.values())))

</pallas_src>

<mosaic_0001>
module attributes {stable_mosaic.version = 14 : i64} {
  func.func @_sigmoid_block(%arg0: i32, %arg1: memref<1xi32, #tpu.memory_space<smem>>, %arg2: memref<1x5000x128xf32, #tpu.memory_space<vmem>>, %arg3: memref<5000x128xf32, #tpu.memory_space<vmem>>) attributes {dimension_semantics = [#tpu.dimension_semantics<arbitrary>], iteration_bounds = array<i64: 10>, scalar_prefetch = 1 : i64, scratch_operands = 0 : i64, tpu.core_type = #tpu.core_type<tc>, window_params = [{transform_indices = @transform_0, window_bounds = array<i64: 1, 5000, 128>}, {transform_indices = @transform_1, window_bounds = array<i64: 5000, 128>}]} {
    %get3A = arith.constant 0 : index
    %get3A_0 = arith.constant 0 : index
    %get3A_1 = arith.constant 0 : index
    %get3A_2 = vector.load %arg2[%get3A, %get3A_0, %get3A_1] : memref<1x5000x128xf32, #tpu.memory_space<vmem>>, vector<1x5000x128xf32>
    %get3A_3 = vector.shape_cast %get3A_2 : vector<1x5000x128xf32> to vector<5000x128xf32>
    %logistic3A = arith.negf %get3A_3 : vector<5000x128xf32>
    %logistic3A_4 = math.exp %logistic3A : vector<5000x128xf32>
    %logistic3A_5 = arith.constant 1.000000e+00 : f32
    %logistic3A_6 = vector.broadcast %logistic3A_5 : f32 to vector<5000x128xf32>
    %logistic3A_7 = arith.addf %logistic3A_6, %logistic3A_4 : vector<5000x128xf32>
    %logistic3A_8 = arith.divf %logistic3A_6, %logistic3A_7 : vector<5000x128xf32>
    %swap3A = arith.constant 0 : index
    %swap3A_9 = arith.constant 0 : index
    %swap3A_10 = vector.load %arg3[%swap3A, %swap3A_9] : memref<5000x128xf32, #tpu.memory_space<vmem>>, vector<5000x128xf32>
    tpu.vector_store %arg3[%swap3A, %swap3A_9], %logistic3A_8 {strides = array<i32>} : memref<5000x128xf32, #tpu.memory_space<vmem>>, vector<5000x128xf32>,
    return
  }
  func.func @transform_0(%arg0: i32, %arg1: memref<1xi32, #tpu.memory_space<smem>>) -> (i32, i32, i32) {
    %get3A = arith.constant 0 : index
    %get3A_0 = memref.load %arg1[%get3A] : memref<1xi32, #tpu.memory_space<smem>>
    %c0_i32 = arith.constant 0 : i32
    %c0_i32_1 = arith.constant 0 : i32
    return %get3A_0, %arg0, %c0_i32 : i32, i32, i32
  }
  func.func @transform_1(%arg0: i32, %arg1: memref<1xi32, #tpu.memory_space<smem>>) -> (i32, i32) {
    %c0_i32 = arith.constant 0 : i32
    %c0_i32_0 = arith.constant 0 : i32
    return %arg0, %c0_i32 : i32, i32
  }
}

</mosaic_0001>

<sc_bundles>
// kernel: sparse-core-data-format-call.cloned.1.call-start
scs
called_computation_lowered:
.L_overlay_start_0:
0x0: {  	s2 =	sld [smem:$0x3FD9]  }
0x1: {  	s3 =	sld [smem:$0x3FFE];
	_ =	sdelay $0x1  }
0x2: {  	s1 =	srdreg.scid  }
0x3: {  	s0 =	sand.u32 $0x1, s1  }
0x4: {  	s18 =	sshll.u32 s0, $0xA;
	s2 =	sadd.s32 s3, s2  }
0x5: {  	s2 =	sadd.s32 s2, s18  }
0x6: {  	[smem:$0x3FC6] =	sst s2  }
0x7: {  	_ = 	snop  }
0x8: {  	s2 =	sld [smem:$0x3FC9];
	(tm) =	ssettm $0x1  }
0x9: {  	s19 =	sld [smem:$0x3FFB];
	_ =	sdelay $0x3  }
0xa: {  	_ =	strace s19  }
0xb: {  	s3 =	sld [smem:$0x3FFC];
	_ =	sdelay $0x3  }
0xc: {  	_ =	strace s3  }
0xd: {  	s3 =	sld [smem:$0x3FFD];
	_ =	sdelay $0x3  }
0xe: {  	_ =	strace s3  }
0xf: {  	_ =	strace $0x8FFFFFFF  }
0x10: {  	s20 =	sld [smem:$0x3FDB];
	_ =	sdelay $0x1  }
0x11: {  	s4 =	simm.s32 $_scs_section_size  }
0x12: {  	s5 =	simm.s32 $_size__tile_overlayer_lowered;
	s6 =	simm.s32 $_tile_overlayer_lowered  }
0x13: {  	s23 =	simm.s32 $0x1BFF;
	s22 =	sshll.u32 s6, $0x1;
	s3 =	sadd.s32 s4, s20  }
0x14: {  	s7 =	simm.s32 $0x0;
	s21 =	sshll.u32 s5, $0x1;
	s5 =	sadd.s32 s22, s3  }
0x15: {  	[timem:s7], [sflag:s23] =	dma.local [hbm:s5], s21  }
0x16: {  	_ =	swait.ge [sflag:s23], s21  }
0x17: {  	s4 =	ssub.s32 $0x0, s21;
	[sflag:s23] =	ssyncset.done $0x0  }
0x18: {  	[sflag:s23] =	ssyncadd.s32 s4;
	_ =	sdelay $0x1  }
0x19: {  	s24 =	simm.s32 $0x1B8B  }
0x1a: {  	_ =	swait.ge [sflag:s24], $0x1  }
0x1b: {  	[sflag:s24] =	ssyncset.done $0x0  }
0x1c: {  	s26 =	simm.s32 $0x1B8E;
	s25 =	sld [smem:$0x3FFE];
	[sflag:s24] =	ssyncadd.s32 $0xFFFFFFFF  }
0x1d: {  	s27 =	simm.s32 $execute0_lowered;
	[smem:$0x3FD2] =	sst s26  }
0x1e: {  	s5 =	sshll.u32 s27, $0x1;
	_ =	strace $0x80000046;
	[dreg:$0x1] =	wrdreg $0xFFFFFFFF  }
0x1f: {  	s28 =	simm.s32 $_size_execute0_lowered;
	s3 =	sadd.s32 s3, s5;
	[dreg:$0x0] =	wrdreg $0x0  }
0x20: {  	s5 =	sshll.u32 s28, $0x1;
	[dreg:$0x2] =	wrdreg s3  }
0x21: {  	[dreg:$0x3] =	wrdreg s5  }
0x22: {  	[dreg:$0x4] =	wrdreg $0xC0  }
0x23: {  	_ =	task [dreg:s7], $0x5FFFF  }
0x24: {  	[dreg:$0x1] =	wrdreg $0xFFFFFFFF  }
0x25: {  	[dreg:$0x0] =	wrdreg $0x60  }
0x26: {  	[dreg:$0x2] =	wrdreg s2  }
0x27: {  	[dreg:$0x3] =	wrdreg s25  }
0x28: {  	[dreg:$0x4] =	wrdreg $0x9  }
0x29: {  	_ =	task.clear_ibuf [dreg:s7], $0x5FFFF;
	_ =	strace $0x90000046  }
0x2a: {  	s29 =	simm.s32 $0x9;
	_ =	strace $0x80000048  }
0x2b: {  	_ =	swait.ge [sflag:s29], $0x1  }
0x2c: {  	[sflag:s29] =	ssyncadd.s32 $0xFFFFFFFF  }
0x2d: {  	_ =	strace $0x90000048  }
0x2e: {  	_ =	sfence  }
0x2f: {  	s30 =	sld [smem:$0x0];
	_ =	sdelay $0x2  }
0x30: {  	s31 =	sshll.u32 s1, $0xD;
	s1 =	sshrl.u32 s1, $0x2  }
0x31: {  	s3 =	sand.u32 $0x4000, s31;
	s1 =	sadd.s32 s1, s30  }
0x32: {  	s0 =	sor.u32 s3, s0;
	s1 =	sshll.u32 s1, $0x11  }
0x33: {  	s0 =	sor.u32 s1, s0  }
0x34: {  	s0 =	sadd.s32 $0x8F2B, s0  }
0x35: {  	[sflag:s0] =	ssyncadd.remote.s32 $0x1  }
0x36: {  	_ =	sfence.sel $0xFFFF  }
0x37: {  	[dreg:$0x0] =	wrdreg $0xFFFFFFFF;
	(pc) =	sbr.abs _section_cstart, $3  }
0x38: {  	[dreg:$0x1] =	wrdreg $0xFFFFFFFF  }
0x39: {  	_ =	task.clear_ibuf [dreg:s7], $0x2FFFF;
	_ =	strace $0x9FFFFFFF  }
0x3a: {  	(tm) =	ssettm $0x7FFFFFFF  }
0x3b: {  	_ =	shalt  }
tec
execute0_lowered:
.L_overlay_start_1:
0x0: {  	(tag) =	ssettag $0x1  }
0x1: {  	s7 =	rddreg [dreg:$0x0]  }
0x2: {  	s2 =	rddreg [dreg:$0x1]  }
0x3: {  	s0 =	rddreg [dreg:$0x2]  }
0x4: {  	s3 =	srdreg.scid;
	_ =	strace $0x80000047;
	s1 =	stileid.u32  }
0x5: {  	s8 =	simm.s32 $0x2;
	s10 =	simm.s32 $0x0;
	s14 =	simm.s32 $0x0  }
0x6: {  	s15 =	simm.s32 $0x0;
	s11 =	simm.s32 $0x0;
	s3 =	sshll.u32 s3, $0x4  }
0x7: {  	s13 =	simm.s32 $0x0;
	s2 =	sadd.s32 $0x400, s2;
	s3 =	sand.u32 $0x10, s3  }
.Ltmp0:
0x8: {  	s4 =	sshll.u32 s1, $0x7;
	s5 =	sor.u32 s1, s3;
	(pc) =	sbr.rel .LBB1_1-.Ltmp0, $4  }
0x9: {  	s3 =	sand.u32 $0x380, s4;
	s4 =	simm.s32 $0x1;
	s5 =	sshrl.u32 s5, $0x3  }
0xa: {  	[sflag:s4] =	ssyncpa.u1 $0x0;
	s6 =	ssub.s32 $0xC300, s3;
	s12 =	smov.u32 s3  }
0xb: {  	s6 =	sshrl.u32 s6, $0xA;
	s9 =	sshll.u32 s5, $0x4;
	[sflag:s8] =	ssyncpa.u1 $0x0  }
0xc: {  	s7 =	sadd.s32 s7, s9;
	s8 =	sadd.s32 $0x2, s6;
	s9 =	simm.s32 $0x0  }
.LBB1_4:
0xd: {  	s21 =	simm.s32 $0x0  }
.LBB1_8:
0xe: {  	_ =	sdelay $0x3  }
0xf: {  	v6 =	vld [tilespmem:s18+$0xFFFFFFC0];
	[tilespmem:v0+s20+$0x30 ss:$0x1] =	vst.idx.msk @p0 $0xffff, v2  }
0x10: {  	v58 =	vld [tilespmem:s18+$0xFFFFFFD0];
	[tilespmem:v0+s20+$0x40 ss:$0x1] =	vst.idx.msk @p0 $0xffff, v3;
	s21 =	sadd.s32 @p0 $0x80, s21  }
0x11: {  	v59 =	vld [tilespmem:s18+$0xFFFFFFE0];
	[tilespmem:v0+s20+$0x50 ss:$0x1] =	vst.idx.msk @p0 $0xffff, v5;
	s19 =	smov.u32 @p0 s21  }
0x12: {  	v60 =	vld [tilespmem:s18+$0xFFFFFFF0];
	[tilespmem:v0+s20+$0x60 ss:$0x1] =	vst.idx.msk @p0 $0xffff, v4;
	s19 =	sand.u32 $0x3F80, s19  }
0x13: {  	v61 =	vld [tilespmem:s18+$0x0];
	[tilespmem:v0+s19+$0x70 ss:$0x1] =	vst.idx.msk $0xffff, v1  }
0x14: {  	v62 =	vld [tilespmem:s18+$0x10];
	[tilespmem:v0+s19+$0x0 ss:$0x1] =	vst.idx.msk $0xffff, v6  }
0x15: {  	v63 =	vld [tilespmem:s18+$0x20];
	[tilespmem:v0+s19+$0x10 ss:$0x1] =	vst.idx.msk $0xffff, v58  }
0x16: {  	[tilespmem:v0+s19+$0x20 ss:$0x1] =	vst.idx.msk $0xffff, v59  }
0x17: {  	[tilespmem:v0+s19+$0x30 ss:$0x1] =	vst.idx.msk $0xffff, v60  }
0x18: {  	[tilespmem:v0+s19+$0x40 ss:$0x1] =	vst.idx.msk $0xffff, v61  }
0x19: {  	[tilespmem:v0+s19+$0x50 ss:$0x1] =	vst.idx.msk $0xffff, v62  }
0x1a: {  	[tilespmem:v0+s19+$0x60 ss:$0x1] =	vst.idx.msk $0xffff, v63  }
.LBB1_9:
0x1b: {  	s18 =	sand.u32 $0x1FFFFFF, s11  }
0x1c: {  	s19 =	smulhi.u32 $0x14F8B59, s18;
	_ =	sdelay $0x1  }
0x1d: {  	s19 =	sshrl.u32 s19, $0x8  }
0x1e: {  	s19 =	smul.u32 $0xC350, s19  }
0x1f: {  	s15 =	smul.u32 $0xC3500, s15  }
0x20: {  	s18 =	ssub.s32 s18, s19  }
0x21: {  	s15 =	sadd.s32 s2, s15;
	s18 =	sshll.u32 s18, $0x4  }
0x22: {  	s15 =	sadd.s32 s18, s15  }
0x23: {  	[hbm4b:s15+s9] =	stream.linear.scatter [tilespmem:s17], [sflag:$0x2], s16, $0x38;
	[tilespmem:$0x10000] =	vst v63  }
.LBB1_10:
0x24: {  	p0 =	slt.u32 s13, $0x2  }
0x25: {  	p1 =	sgt.s32 @!p0 s14, $0xC2D0  }
0x26: {  	s15 =	smov.u32 s14;
	s16 =	sshra.s32 @!p0 s14, $0x1F;
	p1 =	por !p1, p0  }
0x27: {  	s14 =	sand.u32 @!p0 s16, s14;
	s15 =	simm.s32 @p1 $0xC2D0  }
0x28: {  	s14 =	ssub.s32 @!p0 s15, s14  }
0x29: {  	s14 =	sadd.s32 @!p0 $0xFFFF3D30, s14  }
0x2a: {  	s15 =	sshll.u32 @!p0 s14, $0x7  }
0x2b: {  	p1 =	sgt.s32 @!p0 s14, $0x7F;
	s14 =	ssub.s32 @!p0 $0x4000, s15  }
0x2c: {  	s16 =	sadd.s32 $0x400, s12;
	p1 =	por !p1, p0;
	s14 =	sand.u32 @!p0 $0x3FFFFF80, s14  }
0x2d: {  	s14 =	simm.s32 @!p1 $0x0;
	p1 =	sgt.s32 s16, $0xC34F  }
0x2e: {  	s16 =	smov.u32 @p1 s3;
	p1 =	sne.s32 s13, s8  }
.Ltmp1:
0x2f: {  	_ = 	snop;
	(pc) =	sbr.rel @!p1 .LBB1_11-.Ltmp1, $4  }
0x30: {  	s10 =	sadd.s32 $0x4000, s10;
	s15 =	simm.s32 @!p0 $0x2  }
0x31: {  	_ =	swait.ge @!p0 [sflag:s15], s14;
	s17 =	ssub.s32 @!p0 $0x0, s14;
	s14 =	smov.u32 s11  }
0x32: {  	s13 =	sadd.s32 $0x1, s13;
	s11 =	smov.u32 s12;
	[sflag:s15] =	ssyncset.done @!p0 $0x0  }
0x33: {  	s12 =	smov.u32 s16;
	[sflag:s15] =	ssyncadd.s32 @!p0 s17;
	s15 =	smov.u32 s5  }
.LBB1_1:
0x34: {  	p0 =	sgt.u32 s13, s6  }
0x35: {  	p1 =	sgt.s32 @!p0 s12, $0xC2D0  }
0x36: {  	s16 =	smov.u32 s12;
	s17 =	sshra.s32 @!p0 s12, $0x1F;
	p1 =	por !p1, p0  }
0x37: {  	s17 =	sand.u32 @!p0 s17, s12;
	s16 =	simm.s32 @p1 $0xC2D0  }
0x38: {  	s16 =	ssub.s32 @!p0 s16, s17  }
0x39: {  	s18 =	sxor.u32 @!p0 $0xFFFFFFFF, s13;
	s16 =	sadd.s32 @!p0 $0xFFFF3D30, s16  }
0x3a: {  	s19 =	simm.s32 @!p0 $0x80;
	s20 =	simm.s32 @!p0 $0x200;
	s17 =	sshll.u32 @!p0 s16, $0x7  }
0x3b: {  	p1 =	sgt.s32 @!p0 s16, $0x7F;
	s16 =	ssub.s32 @!p0 $0x4000, s17;
	s17 =	sshll.u32 @!p0 s18, $0xE  }
0x3c: {  	p1 =	por !p1, p0;
	s18 =	sshll.u32 @!p0 s12, $0x6;
	s16 =	sand.u32 @!p0 $0x3FFFFF80, s16  }
0x3d: {  	s17 =	sand.u32 @!p0 $0x4000, s17;
	s18 =	sadd.s32 @!p0 s18, s7;
	s16 =	simm.s32 @!p1 $0x0  }
0x3e: {  	[tilespmem:s17], [sflag:$0x1] =	stream.strided.gather @!p0 [hbm4b:s18+s19], s16, s20, s19, $0x38;
	[tilespmem:$0x10000] =	vst v63  }
0x3f: {  	p0 =	seq.s32 s13, $0x0  }
0x40: {  	p1 =	sge.u32 @!p0 s13, s8  }
0x41: {  	p0 =	por p0, p1  }
.Ltmp2:
0x42: {  	_ = 	snop;
	(pc) =	sbr.rel @p0 .LBB1_10-.Ltmp2, $1  }
0x43: {  	_ =	sdelay $0x3  }
0x44: {  	p0 =	sgt.s32 s11, $0xC2D0;
	s16 =	smov.u32 s11;
	s17 =	sshra.s32 s11, $0x1F  }
0x45: {  	s16 =	simm.s32 @!p0 $0xC2D0;
	s17 =	sand.u32 s17, s11  }
0x46: {  	s16 =	ssub.s32 s16, s17  }
0x47: {  	s16 =	sadd.s32 $0xFFFF3D30, s16  }
0x48: {  	s30 =	sshll.u32 s16, $0x7  }
0x49: {  	s17 =	ssub.s32 $0x4000, s30  }
0x4a: {  	p0 =	sgt.s32 s16, $0x7F;
	s16 =	sand.u32 $0x3FFFFF80, s17;
	s17 =	sadd.s32 $0x80, s11  }
0x4b: {  	s16 =	simm.s32 @p0 $0x0;
	p0 =	slt.s32 s17, $0xC350  }
0x4c: {  	s17 =	simm.s32 @!p0 $0xC350  }
0x4d: {  	s20 =	ssub.s32 s17, s11  }
0x4e: {  	p0 =	slt.s32 s20, $0x1  }
.Ltmp3:
0x4f: {  	_ = 	snop;
	(pc) =	sbr.rel @p0 .LBB1_9-.Ltmp3, $4  }
0x50: {  	_ = 	snop  }
0x51: {  	s19 =	sshll.u32 s13, $0xE;
	_ =	swait.ge [sflag:s4], s16  }
0x52: {  	s31 =	sand.u32 $0x4000, s19;
	s18 =	ssub.s32 $0x0, s16;
	[sflag:s4] =	ssyncset.done $0x0  }
0x53: {  	s17 =	sor.u32 $0x8000, s31;
	[sflag:s4] =	ssyncadd.s32 s18  }
0x54: {  	p1 =	sne.s32 s20, $0x1  }
.Ltmp4:
0x55: {  	v0 =	vmov s17;
	(pc) =	sbr.rel @!p1 .LBB1_4-.Ltmp4, $4  }
0x56: {  	_ = 	snop  }
0x57: {  	s18 =	sand.u32 $0x4000, s10  }
0x58: {  	s18 =	sor.u32 $0x40, s18  }
0x59: {  	s19 =	simm.s32 $0x0;
	s21 =	sadd.s32 $0xFFFFFFFF, s20;
	p0 =	por $0x0, $0x0;
	v1 =	vld [tilespmem:s18+$0x30]  }
0x5a: {  	v4 =	vld [tilespmem:s18+$0xFFFFFFC0]  }
0x5b: {  	v6 =	vld [tilespmem:s18+$0xFFFFFFD0]  }
0x5c: {  	v7 =	vld [tilespmem:s18+$0xFFFFFFE0];
	p1 =	sne.s32 s21, $0x1  }
.Ltmp5:
0x5d: {  	v2 =	vld [tilespmem:s18+$0xFFFFFFF0];
	s20 =	sand.u32 $0x3F80, s19;
	(pc) =	sbr.rel @!p1 .LBB1_6-.Ltmp5, $4  }
0x5e: {  	v3 =	vld [tilespmem:s18+$0x0];
	[tilespmem:v0+s20+$0x70 ss:$0x1] =	vst.idx.msk $0xffff, v1  }
0x5f: {  	v5 =	vld [tilespmem:s18+$0x10];
	[tilespmem:v0+s20+$0x0 ss:$0x1] =	vst.idx.msk $0xffff, v4  }
0x60: {  	v4 =	vld [tilespmem:s18+$0x20];
	[tilespmem:v0+s20+$0x10 ss:$0x1] =	vst.idx.msk $0xffff, v6;
	s18 =	sadd.s32 $0x80, s18  }
0x61: {  	s22 =	sadd.s32 $0xFFFFFFFF, s21;
	p0 =	por $0x1, $0x1;
	s21 =	simm.s32 $0x0;
	[tilespmem:v0+s20+$0x20 ss:$0x1] =	vst.idx.msk $0xffff, v7;
	v1 =	vld [tilespmem:s18+$0x30]  }
.LBB1_7:
0x62: {  	p1 =	sne.s32 s22, $0x1;
	v6 =	vld [tilespmem:s18+$0xFFFFFFC0];
	[tilespmem:v0+s20+$0x30 ss:$0x1] =	vst.idx.msk $0xffff, v2  }
0x63: {  	v7 =	vld [tilespmem:s18+$0xFFFFFFD0];
	[tilespmem:v0+s20+$0x40 ss:$0x1] =	vst.idx.msk $0xffff, v3  }
0x64: {  	s21 =	sadd.s32 $0x80, s21;
	v8 =	vld [tilespmem:s18+$0xFFFFFFE0];
	[tilespmem:v0+s20+$0x50 ss:$0x1] =	vst.idx.msk $0xffff, v5  }
.Ltmp6:
0x65: {  	v2 =	vld [tilespmem:s18+$0xFFFFFFF0];
	[tilespmem:v0+s20+$0x60 ss:$0x1] =	vst.idx.msk $0xffff, v4;
	s20 =	sand.u32 $0x3F80, s21;
	(pc) =	sbr.rel @p1 .LBB1_7-.Ltmp6, $4  }
0x66: {  	v3 =	vld [tilespmem:s18+$0x0];
	[tilespmem:v0+s20+$0x70 ss:$0x1] =	vst.idx.msk $0xffff, v1  }
0x67: {  	[tilespmem:v0+s20+$0x0 ss:$0x1] =	vst.idx.msk $0xffff, v6;
	v5 =	vld [tilespmem:s18+$0x10]  }
0x68: {  	[tilespmem:v0+s20+$0x10 ss:$0x1] =	vst.idx.msk $0xffff, v7;
	v4 =	vld [tilespmem:s18+$0x20];
	s18 =	sadd.s32 $0x80, s18  }
0x69: {  	s22 =	sadd.s32 $0xFFFFFFFF, s22;
	v1 =	vld [tilespmem:s18+$0x30];
	[tilespmem:v0+s20+$0x20 ss:$0x1] =	vst.idx.msk $0xffff, v8  }
.Ltmp7:
0x6a: {  	_ = 	snop;
	(pc) =	sbr.rel .LBB1_8-.Ltmp7, $1  }
0x6b: {  	_ =	sdelay $0x3  }
.LBB1_6:
.Ltmp8:
0x6c: {  	(pc) =	sbr.rel .LBB1_8-.Ltmp8, $2  }
0x6d: {  	_ =	sdelay $0x2  }
0x6e: {  	s21 =	simm.s32 $0x0  }
.LBB1_11:
0x6f: {  	_ =	sfence.sel $0x180000  }
0x70: {  	s2 =	simm.s32 $0x1;
	[bflag:$0x0] =	sbarrier.arrive $0xFFFF  }
0x71: {  	s31 =	simm.s32 $0x2;
	[sflag:s2] =	ssyncpa.u1 $0x1  }
0x72: {  	[sflag:s31] =	ssyncpa.u1 $0x1  }
0x73: {  	p0 =	sne.s32 s1, $0x0;
	_ =	strace $0x90000047  }
0x74: {  	s0 =	sadd.s32 @!p0 $0x100000, s0;
	[bflag:$0x2] =	sbarrier.arrive $0xFFFF  }
0x75: {  	[sflag:s0] =	ssyncadd.tile.s32 @!p0 $0x1;
	_ =	shalt  }
.Lfunc_end1:
_tile_overlayer_lowered:
.L_overlay_start_2:
0x76: {  	(tag) =	ssettag $0x2  }
0x77: {  	s0 =	rddreg [dreg:$0x0];
	s2 =	stileid.u32  }
0x78: {  	s1 =	rddreg [dreg:$0x1];
	p0 =	sne.s32 s2, $0x0  }
0x79: {  	s3 =	rddreg [dreg:$0x2];
	[bflag:$0x3] =	sbarrier.arrive $0xFFFF;
	s2 =	simm.s32 @!p0 $0x1C01  }
0x7a: {  	[timem:s3], [sflag:s2] =	dma.local @!p0 [hbm:s0], s1  }
0x7b: {  	s0 =	simm.s32 @!p0 $0x1  }
0x7c: {  	_ =	swait.ge @!p0 [sflag:s0], s1  }
0x7d: {  	s1 =	ssub.s32 @!p0 $0x0, s1;
	[sflag:s0] =	ssyncset.done @!p0 $0x0  }
0x7e: {  	[sflag:s0] =	ssyncadd.s32 @!p0 s1  }
0x7f: {  	[bflag:$0x3] =	sbarrier.arrive $0xFFFF  }
0x80: {  	_ =	shalt  }

</sc_bundles>
